<compile_context>
chip_gen: v7x
topology: tpu7x:2x2x1
jax: 0.10.2.dev20260603
libtpu: 0.0.44.dev20260713+nightly
codegen_flags: <defaults>
</compile_context>

<pallas_src>
import functools

import jax
import jax.numpy as jnp
from jax import lax
from jax.experimental import pallas as pl
from jax.experimental.pallas import tpu as pltpu
from jax.experimental.pallas import tpu_sc as plsc

_NUM_EMBEDDINGS = 1024
_EMBEDDING_DIM = 64
_COMMITMENT_COST = 0.25
_LB = 4096
_NC = 2
_NS = 16
_NW = _NC * _NS


def _vq_kernel(x_ref, w2_ref, wsq_ref, wt_ref, out_ref, loss_ref, idx_ref,
               sse_ref, *, n_elems):
    b = pl.program_id(0)
    l = pl.program_id(1)
    nb = pl.num_programs(0)
    nl = pl.num_programs(1)

    @pl.when((b == 0) & (l == 0))
    def _init():
        sse_ref[0] = 0.0

    x = x_ref[...]
    d = jnp.dot(w2_ref[...], x, preferred_element_type=jnp.float32) + wsq_ref[...]
    idx = jnp.argmin(d, axis=0)[None, :]
    idx_ref[...] = idx.reshape(1, 1, -1)
    iota = jax.lax.broadcasted_iota(jnp.int32, d.shape, 0)
    onehot = (iota == idx).astype(jnp.float32)
    q = jnp.dot(wt_ref[...], onehot, preferred_element_type=jnp.float32)
    out_ref[...] = q
    sse_ref[0] += jnp.sum((q - x) * (q - x))

    @pl.when((b == nb - 1) & (l == nl - 1))
    def _finalize():
        loss = (1.0 + _COMMITMENT_COST) * sse_ref[0] / n_elems
        loss_ref[...] = jnp.reshape(loss, (1, 1))


def _hist_sc(n_idx):
    per_w = n_idx // _NW
    mesh = plsc.VectorSubcoreMesh(core_axis_name="c", subcore_axis_name="s")

    @functools.partial(
        pl.kernel, mesh=mesh,
        out_type=jax.ShapeDtypeStruct((_NC, _NUM_EMBEDDINGS), jnp.float32),
        scratch_types=[
            pltpu.VMEM((per_w,), jnp.int32),
            pltpu.VMEM((per_w,), jnp.float32),
            pltpu.VMEM_SHARED((_NUM_EMBEDDINGS,), jnp.float32),
        ],
    )
    def hist(idx_hbm, zeros_hbm, ones_hbm, out_hbm, idx_v, ones_v, shared):
        c = lax.axis_index("c")
        s = lax.axis_index("s")
        wid = s * _NC + c

        @pl.when(s == 0)
        def _zero():
            pltpu.sync_copy(zeros_hbm, shared)

        pltpu.sync_copy(ones_hbm, ones_v)
        pltpu.sync_copy(idx_hbm.at[pl.ds(wid * per_w, per_w)], idx_v)
        plsc.subcore_barrier()
        pltpu.sync_copy(ones_v, shared.at[idx_v], add=True)
        plsc.subcore_barrier()

        @pl.when(s == 0)
        def _drain():
            pltpu.sync_copy(shared, out_hbm.at[c])

    return hist


def _perp_kernel(h_ref, perp_ref, *, n_rows):
    counts = jnp.sum(h_ref[...], axis=0, keepdims=True)
    p = counts / n_rows
    ent = jnp.sum(p * jnp.log(p + 1e-10))
    perp_ref[...] = jnp.reshape(jnp.exp(-ent), (1, 1))


def kernel(inputs, weight):
    batch, c, length = inputs.shape
    n_rows = batch * length
    n_elems = batch * length * c

    last = jnp.transpose(inputs[-1, :, length - _NUM_EMBEDDINGS:], (1, 0))
    w = jnp.where(jnp.all(weight == 0.0), last, weight)

    x2d = inputs.reshape(batch * c, length)
    grid = (batch, length // _LB)
    nl = length // _LB
    body = functools.partial(_vq_kernel, n_elems=float(n_elems))
    q, loss, idx3 = pl.pallas_call(
        body,
        grid=grid,
        in_specs=[
            pl.BlockSpec((c, _LB), lambda b, l: (b, l)),
            pl.BlockSpec((_NUM_EMBEDDINGS, _EMBEDDING_DIM), lambda b, l: (0, 0)),
            pl.BlockSpec((_NUM_EMBEDDINGS, 1), lambda b, l: (0, 0)),
            pl.BlockSpec((_EMBEDDING_DIM, _NUM_EMBEDDINGS), lambda b, l: (0, 0)),
        ],
        out_specs=[
            pl.BlockSpec((c, _LB), lambda b, l: (b, l)),
            pl.BlockSpec((1, 1), lambda b, l: (0, 0)),
            pl.BlockSpec((1, 1, _LB), lambda b, l: (b * nl + l, 0, 0)),
        ],
        out_shape=[
            jax.ShapeDtypeStruct((batch * c, length), jnp.float32),
            jax.ShapeDtypeStruct((1, 1), jnp.float32),
            jax.ShapeDtypeStruct((batch * nl, 1, _LB), jnp.int32),
        ],
        scratch_shapes=[
            pltpu.SMEM((1,), jnp.float32),
        ],
        compiler_params=pltpu.CompilerParams(
            dimension_semantics=("arbitrary", "arbitrary")),
    )(x2d, -2.0 * w, jnp.sum(w * w, axis=1, keepdims=True), w.T)

    hist = _hist_sc(n_rows)(
        idx3.reshape(-1),
        jnp.zeros((_NUM_EMBEDDINGS,), jnp.float32),
        jnp.ones((n_rows // _NW,), jnp.float32),
    )

    perp = pl.pallas_call(
        functools.partial(_perp_kernel, n_rows=float(n_rows)),
        out_shape=jax.ShapeDtypeStruct((1, 1), jnp.float32),
    )(hist)

    return (loss[0, 0], q.reshape(batch, c, length), perp[0, 0])

# --- scband reference (transcript-rebuilt; emitter-appended) ---
"""Pipeline reference for scband-vector-quantizer-ema-15281493639807 (READ-ONLY COPY).

The authoritative reference and input builder live on the scoring server;
editing this copy changes nothing except your own understanding.
"""

import jax, jax.numpy as jnp
import numpy as np

NUM_EMBEDDINGS = 1024
EMBEDDING_DIM = 64
COMMITMENT_COST = 0.25


def setup_inputs(seed: int = 0) -> dict:
    key = jax.random.key(seed)
    k1, k2 = jax.random.split(key)
    inputs = jax.random.normal(k1, (16, 64, 4096), dtype=jnp.float32)
    # nn.Embedding weight initialized with uniform_() in [0, 1)
    weight = jax.random.uniform(k2, (NUM_EMBEDDINGS, EMBEDDING_DIM), dtype=jnp.float32)
    return {"inputs": inputs, "weight": weight}


def reference(inputs, weight):
    # BCL -> BLC
    x = jnp.transpose(inputs, (0, 2, 1))
    input_shape = x.shape
    flat_input = x.reshape(-1, EMBEDDING_DIM)
    # torch code replaces an all-zero codebook with last N inputs; replicate with where
    all_zero = jnp.all(weight == 0)
    w = jnp.where(all_zero, jax.lax.stop_gradient(flat_input[-NUM_EMBEDDINGS:]), weight)
    distances = (jnp.sum(flat_input ** 2, axis=1, keepdims=True)
                 + jnp.sum(w ** 2, axis=1)
                 - 2.0 * jnp.matmul(flat_input, w.T))
    encoding_indices = jnp.argmin(distances, axis=1)
    n = encoding_indices.shape[0]
    # scatter one-hot encodings (scatter-overwrite)
    encodings = jnp.zeros((n, NUM_EMBEDDINGS), dtype=jnp.float32).at[jnp.arange(n), encoding_indices].set(1.0)
    quantized = jnp.matmul(encodings, w).reshape(input_shape)
    e_latent_loss = jnp.mean((jax.lax.stop_gradient(quantized) - x) ** 2)
    q_latent_loss = jnp.mean((quantized - jax.lax.stop_gradient(x)) ** 2)
    loss = q_latent_loss + COMMITMENT_COST * e_latent_loss
    quantized_st = x + jax.lax.stop_gradient(quantized - x)
    avg_probs = jnp.mean(encodings, axis=0)
    perplexity = jnp.exp(-jnp.sum(avg_probs * jnp.log(avg_probs + 1e-10)))
    return (loss, jnp.transpose(quantized_st, (0, 2, 1)), perplexity)

if __name__ == "__main__":
    import jax
    _d = setup_inputs()
    print(jax.jit(kernel)(*tuple(_d.values())))

</pallas_src>

<mosaic_0001>
#map = affine_map<(d0, d1) -> (0)>
#map1 = affine_map<(d0, d1) -> (0, 0)>
module attributes {stable_mosaic.version = 14 : i64} {
  func.func @hist(%arg0: i32, %arg1: i32, %arg2: memref<65536xi32, #tpu.memory_space<hbm>>, %arg3: memref<1024xf32, #tpu.memory_space<hbm>>, %arg4: memref<2048xf32, #tpu.memory_space<hbm>>, %arg5: memref<2x1024xf32, #tpu.memory_space<hbm>>, %arg6: memref<2048xi32, #tpu.memory_space<vmem>>, %arg7: memref<2048xf32, #tpu.memory_space<vmem>>, %arg8: memref<1024xf32, #tpu.memory_space<vmem_shared>>) attributes {dimension_semantics = [#tpu.dimension_semantics<core_parallel>, #tpu.dimension_semantics<subcore_parallel>], iteration_bounds = array<i64: 2, 16>, scalar_prefetch = 0 : i64, scratch_operands = 3 : i64, tpu.core_type = #tpu.core_type<sc_vector_subcore>, window_params = [{transform_indices = #map}, {transform_indices = #map}, {transform_indices = #map}, {transform_indices = #map1}]} {
    %mul3A = arith.constant 2 : i32
    %mul3A_0 = arith.muli %arg1, %mul3A : i32
    %add3A = arith.addi %mul3A_0, %arg0 : i32
    %eq3A = arith.constant 0 : i32
    %eq3A_1 = arith.cmpi eq, %arg1, %eq3A : i32
    %convert_element_type3A = arith.extui %eq3A_1 : i1 to i32
    %cond3A = arith.constant 0 : i32
    %cond3A_2 = arith.cmpi ne, %convert_element_type3A, %cond3A : i32
    scf.if %cond3A_2 {
      "tpu.region"() ({
        %run_scoped3A = tpu.sem_alloc : memref<!tpu.dma_semaphore, #tpu.memory_space<semaphore_mem>>
        tpu.enqueue_dma source(%arg3 : memref<1024xf32, #tpu.memory_space<hbm>>) target(%arg8 : memref<1024xf32, #tpu.memory_space<vmem_shared>>) target_semaphore(%run_scoped3A : memref<!tpu.dma_semaphore, #tpu.memory_space<semaphore_mem>>)
        tpu.wait_dma2 semaphore(%run_scoped3A : memref<!tpu.dma_semaphore, #tpu.memory_space<semaphore_mem>>) src(%arg3 : memref<1024xf32, #tpu.memory_space<hbm>>) dst(%arg8 : memref<1024xf32, #tpu.memory_space<vmem_shared>>)
        tpu.yield
      }) : () -> ()
    } else {
    }
    "tpu.region"() ({
      %run_scoped3A = tpu.sem_alloc : memref<!tpu.dma_semaphore, #tpu.memory_space<semaphore_mem>>
      tpu.enqueue_dma source(%arg4 : memref<2048xf32, #tpu.memory_space<hbm>>) target(%arg7 : memref<2048xf32, #tpu.memory_space<vmem>>) target_semaphore(%run_scoped3A : memref<!tpu.dma_semaphore, #tpu.memory_space<semaphore_mem>>)
      tpu.wait_dma2 semaphore(%run_scoped3A : memref<!tpu.dma_semaphore, #tpu.memory_space<semaphore_mem>>) src(%arg4 : memref<2048xf32, #tpu.memory_space<hbm>>) dst(%arg7 : memref<2048xf32, #tpu.memory_space<vmem>>)
      tpu.yield
    }) : () -> ()
    %mul3A_3 = arith.constant 2048 : i32
    %mul3A_4 = arith.muli %add3A, %mul3A_3 : i32
    "tpu.region"() ({
      %run_scoped3A = tpu.sem_alloc : memref<!tpu.dma_semaphore, #tpu.memory_space<semaphore_mem>>
      %dma_start3A = tpu.memref_slice %arg2[%mul3A_4] : memref<65536xi32, #tpu.memory_space<hbm>> -> memref<2048xi32, #tpu.memory_space<hbm>>
      %dma_start3A_11 = tpu.memref_slice %arg2[%mul3A_4] : memref<65536xi32, #tpu.memory_space<hbm>> -> memref<2048xi32, #tpu.memory_space<hbm>>
      tpu.enqueue_dma source(%dma_start3A_11 : memref<2048xi32, #tpu.memory_space<hbm>>) target(%arg6 : memref<2048xi32, #tpu.memory_space<vmem>>) target_semaphore(%run_scoped3A : memref<!tpu.dma_semaphore, #tpu.memory_space<semaphore_mem>>)
      %dma_wait3A = tpu.memref_slice %arg2[%mul3A_4] : memref<65536xi32, #tpu.memory_space<hbm>> -> memref<2048xi32, #tpu.memory_space<hbm>>
      %dma_wait3A_12 = tpu.memref_slice %arg2[%mul3A_4] : memref<65536xi32, #tpu.memory_space<hbm>> -> memref<2048xi32, #tpu.memory_space<hbm>>
      tpu.wait_dma2 semaphore(%run_scoped3A : memref<!tpu.dma_semaphore, #tpu.memory_space<semaphore_mem>>) src(%dma_wait3A_12 : memref<2048xi32, #tpu.memory_space<hbm>>) dst(%arg6 : memref<2048xi32, #tpu.memory_space<vmem>>)
      tpu.yield
    }) : () -> ()
    %barrier3A = arith.constant 0 : index
    tpu.barrier barrier_id(%barrier3A)
    "tpu.region"() ({
      %run_scoped3A = tpu.sem_alloc : memref<!tpu.dma_semaphore, #tpu.memory_space<semaphore_mem>>
      %dma_start3A = arith.constant 0 : i32
      %dma_start3A_11 = tpu.memref_slice %arg8[%dma_start3A] : memref<1024xf32, #tpu.memory_space<vmem_shared>> -> memref<1024xf32, #tpu.memory_space<vmem_shared>>
      tpu.enqueue_indirect_dma source(%arg7 : memref<2048xf32, #tpu.memory_space<vmem>>) target(%dma_start3A_11 : memref<1024xf32, #tpu.memory_space<vmem_shared>>) offsets(%arg6 : memref<2048xi32, #tpu.memory_space<vmem>>) semaphore(%run_scoped3A : memref<!tpu.dma_semaphore, #tpu.memory_space<semaphore_mem>>) {add = true}
      %dma_wait3A = arith.constant 0 : i32
      %dma_wait3A_12 = tpu.memref_slice %arg8[%dma_wait3A] : memref<1024xf32, #tpu.memory_space<vmem_shared>> -> memref<1024xf32, #tpu.memory_space<vmem_shared>>
      tpu.wait_indirect_dma semaphore(%run_scoped3A : memref<!tpu.dma_semaphore, #tpu.memory_space<semaphore_mem>>) src(%arg7 : memref<2048xf32, #tpu.memory_space<vmem>>) dst(%dma_wait3A_12 : memref<1024xf32, #tpu.memory_space<vmem_shared>>)
      tpu.yield
    }) : () -> ()
    %barrier3A_5 = arith.constant 0 : index
    tpu.barrier barrier_id(%barrier3A_5)
    %eq3A_6 = arith.constant 0 : i32
    %eq3A_7 = arith.cmpi eq, %arg1, %eq3A_6 : i32
    %convert_element_type3A_8 = arith.extui %eq3A_7 : i1 to i32
    %cond3A_9 = arith.constant 0 : i32
    %cond3A_10 = arith.cmpi ne, %convert_element_type3A_8, %cond3A_9 : i32
    scf.if %cond3A_10 {
      "tpu.region"() ({
        %run_scoped3A = tpu.sem_alloc : memref<!tpu.dma_semaphore, #tpu.memory_space<semaphore_mem>>
        %dma_start3A = arith.constant 0 : i32
        %dma_start3A_11 = tpu.memref_slice %arg5[%arg0, %dma_start3A] : memref<2x1024xf32, #tpu.memory_space<hbm>> -> memref<1x1024xf32, #tpu.memory_space<hbm>>
        %dma_start3A_12 = tpu.memref_squeeze %dma_start3A_11 : memref<1x1024xf32, #tpu.memory_space<hbm>> -> memref<1024xf32, #tpu.memory_space<hbm>>
        tpu.enqueue_dma source(%arg8 : memref<1024xf32, #tpu.memory_space<vmem_shared>>) target(%dma_start3A_12 : memref<1024xf32, #tpu.memory_space<hbm>>) target_semaphore(%run_scoped3A : memref<!tpu.dma_semaphore, #tpu.memory_space<semaphore_mem>>)
        %dma_wait3A = arith.constant 0 : i32
        %dma_wait3A_13 = tpu.memref_slice %arg5[%arg0, %dma_wait3A] : memref<2x1024xf32, #tpu.memory_space<hbm>> -> memref<1x1024xf32, #tpu.memory_space<hbm>>
        %dma_wait3A_14 = tpu.memref_squeeze %dma_wait3A_13 : memref<1x1024xf32, #tpu.memory_space<hbm>> -> memref<1024xf32, #tpu.memory_space<hbm>>
        tpu.wait_dma2 semaphore(%run_scoped3A : memref<!tpu.dma_semaphore, #tpu.memory_space<semaphore_mem>>) src(%arg8 : memref<1024xf32, #tpu.memory_space<vmem_shared>>) dst(%dma_wait3A_14 : memref<1024xf32, #tpu.memory_space<hbm>>)
        tpu.yield
      }) : () -> ()
    } else {
    }
    return
  }
}

module attributes {stable_mosaic.version = 14 : i64} {
  func.func @_vq_kernel(%arg0: i32, %arg1: i32, %arg2: memref<64x4096xf32, #tpu.memory_space<vmem>>, %arg3: memref<1024x64xf32, #tpu.memory_space<vmem>>, %arg4: memref<1024x1xf32, #tpu.memory_space<vmem>>, %arg5: memref<64x1024xf32, #tpu.memory_space<vmem>>, %arg6: memref<64x4096xf32, #tpu.memory_space<vmem>>, %arg7: memref<1x1xf32, #tpu.memory_space<vmem>>, %arg8: memref<1x1x4096xi32, #tpu.memory_space<vmem>>, %arg9: memref<1xf32, #tpu.memory_space<smem>>) attributes {dimension_semantics = [#tpu.dimension_semantics<arbitrary>, #tpu.dimension_semantics<arbitrary>], iteration_bounds = array<i64: 16, 1>, scalar_prefetch = 0 : i64, scratch_operands = 1 : i64, tpu.core_type = #tpu.core_type<tc>, window_params = [{transform_indices = @transform_0, window_bounds = array<i64: 64, 4096>}, {pipeline_mode = #tpu.pipeline_mode<synchronous>, transform_indices = @transform_1, window_bounds = array<i64: 1024, 64>}, {pipeline_mode = #tpu.pipeline_mode<synchronous>, transform_indices = @transform_2, window_bounds = array<i64: 1024, 1>}, {pipeline_mode = #tpu.pipeline_mode<synchronous>, transform_indices = @transform_3, window_bounds = array<i64: 64, 1024>}, {transform_indices = @transform_4, window_bounds = array<i64: 64, 4096>}, {pipeline_mode = #tpu.pipeline_mode<synchronous>, transform_indices = @transform_5, window_bounds = array<i64: 1, 1>}, {transform_indices = @transform_6, window_bounds = array<i64: 1, 1, 4096>}]} {
    %eq3A = arith.constant 0 : i32
    %eq3A_0 = arith.cmpi eq, %arg0, %eq3A : i32
    %eq3A_1 = arith.constant 0 : i32
    %eq3A_2 = arith.cmpi eq, %arg1, %eq3A_1 : i32
    %and3A = arith.andi %eq3A_0, %eq3A_2 : i1
    %convert_element_type3A = arith.extui %and3A : i1 to i32
    %cond3A = arith.constant 0 : i32
    %cond3A_3 = arith.cmpi ne, %convert_element_type3A, %cond3A : i32
    scf.if %cond3A_3 {
      %swap3A_47 = arith.constant 0.000000e+00 : f32
      %swap3A_48 = arith.constant 0 : index
      %swap3A_49 = memref.load %arg9[%swap3A_48] : memref<1xf32, #tpu.memory_space<smem>>
      memref.store %swap3A_47, %arg9[%swap3A_48] : memref<1xf32, #tpu.memory_space<smem>>
    } else {
    }
    %get3A = arith.constant 0 : index
    %get3A_4 = arith.constant 0 : index
    %get3A_5 = vector.load %arg2[%get3A, %get3A_4] : memref<64x4096xf32, #tpu.memory_space<vmem>>, vector<64x4096xf32>
    %get3A_6 = arith.constant 0 : index
    %get3A_7 = arith.constant 0 : index
    %get3A_8 = vector.load %arg3[%get3A_6, %get3A_7] : memref<1024x64xf32, #tpu.memory_space<vmem>>, vector<1024x64xf32>
    %dot_general3A = arith.constant dense<0.000000e+00> : vector<1024x4096xf32>
    %dot_general3A_9 = tpu.matmul %get3A_8, %get3A_5, %dot_general3A {dimension_numbers = #tpu.dot_dimension_numbers<[1], [0], [0], [1], [0, 0, 1, 1], [], []>, transpose_lhs_hint = false} : vector<1024x64xf32>, vector<64x4096xf32>, vector<1024x4096xf32> -> vector<1024x4096xf32>
    %get3A_10 = arith.constant 0 : index
    %get3A_11 = arith.constant 0 : index
    %get3A_12 = vector.load %arg4[%get3A_10, %get3A_11] : memref<1024x1xf32, #tpu.memory_space<vmem>>, vector<1024x1xf32>
    %add3A = vector.broadcast %get3A_12 : vector<1024x1xf32> to vector<1024x4096xf32>
    %add3A_13 = arith.addf %dot_general3A_9, %add3A : vector<1024x4096xf32>
    %argmin3A = tpu.reduce_index %add3A_13 {axis = 0 : i32, kind = #tpu.reduction_kind<arg_min>} : vector<1024x4096xf32> -> vector<4096xi32>
    %broadcast_in_dim3A = vector.shape_cast %argmin3A : vector<4096xi32> to vector<1x4096xi32>
    %reshape3A = vector.shape_cast %broadcast_in_dim3A : vector<1x4096xi32> to vector<1x1x4096xi32>
    %swap3A = arith.constant 0 : index
    %swap3A_14 = arith.constant 0 : index
    %swap3A_15 = arith.constant 0 : index
    %swap3A_16 = vector.load %arg8[%swap3A, %swap3A_14, %swap3A_15] : memref<1x1x4096xi32, #tpu.memory_space<vmem>>, vector<1x1x4096xi32>
    tpu.vector_store %arg8[%swap3A, %swap3A_14, %swap3A_15], %reshape3A {strides = array<i32>} : memref<1x1x4096xi32, #tpu.memory_space<vmem>>, vector<1x1x4096xi32>,
    %iota3A = tpu.iota {dimensions = array<i32: 0>} : vector<1024x4096xi32>
    %eq3A_17 = vector.broadcast %broadcast_in_dim3A : vector<1x4096xi32> to vector<1024x4096xi32>
    %eq3A_18 = arith.cmpi eq, %iota3A, %eq3A_17 : vector<1024x4096xi32>
    %convert_element_type3A_19 = arith.extui %eq3A_18 : vector<1024x4096xi1> to vector<1024x4096xi32>
    %convert_element_type3A_20 = arith.sitofp %convert_element_type3A_19 : vector<1024x4096xi32> to vector<1024x4096xf32>
    %get3A_21 = arith.constant 0 : index
    %get3A_22 = arith.constant 0 : index
    %get3A_23 = vector.load %arg5[%get3A_21, %get3A_22] : memref<64x1024xf32, #tpu.memory_space<vmem>>, vector<64x1024xf32>
    %dot_general3A_24 = arith.constant dense<0.000000e+00> : vector<64x4096xf32>
    %dot_general3A_25 = tpu.matmul %get3A_23, %convert_element_type3A_20, %dot_general3A_24 {dimension_numbers = #tpu.dot_dimension_numbers<[1], [0], [0], [1], [0, 0, 1, 1], [], []>, transpose_lhs_hint = false} : vector<64x1024xf32>, vector<1024x4096xf32>, vector<64x4096xf32> -> vector<64x4096xf32>
    %swap3A_26 = arith.constant 0 : index
    %swap3A_27 = arith.constant 0 : index
    %swap3A_28 = vector.load %arg6[%swap3A_26, %swap3A_27] : memref<64x4096xf32, #tpu.memory_space<vmem>>, vector<64x4096xf32>
    tpu.vector_store %arg6[%swap3A_26, %swap3A_27], %dot_general3A_25 {strides = array<i32>} : memref<64x4096xf32, #tpu.memory_space<vmem>>, vector<64x4096xf32>,
    %get3A_29 = arith.constant 0 : index
    %get3A_30 = memref.load %arg9[%get3A_29] : memref<1xf32, #tpu.memory_space<smem>>
    %sub3A = arith.subf %dot_general3A_25, %get3A_5 : vector<64x4096xf32>
    %sub3A_31 = arith.subf %dot_general3A_25, %get3A_5 : vector<64x4096xf32>
    %mul3A = arith.mulf %sub3A, %sub3A_31 : vector<64x4096xf32>
    %reduce_sum3A = vector.shape_cast %mul3A : vector<64x4096xf32> to vector<1x64x4096xf32>
    %reduce_sum3A_32 = arith.constant dense<0.000000e+00> : vector<1xf32>
    %reduce_sum3A_33 = vector.multi_reduction <add>, %reduce_sum3A, %reduce_sum3A_32 [1, 2] : vector<1x64x4096xf32> to vector<1xf32>
    %reduce_sum3A_34 = vector.shape_cast %reduce_sum3A_33 : vector<1xf32> to vector<1x1x1xf32>
    %reduce_sum3A_35 = vector.extract %reduce_sum3A_34[0, 0, 0] : f32 from vector<1x1x1xf32>
    %add3A_36 = arith.addf %get3A_30, %reduce_sum3A_35 : f32
    %swap3A_37 = arith.constant 0 : index
    %swap3A_38 = memref.load %arg9[%swap3A_37] : memref<1xf32, #tpu.memory_space<smem>>
    memref.store %add3A_36, %arg9[%swap3A_37] : memref<1xf32, #tpu.memory_space<smem>>
    %eq3A_39 = arith.constant 15 : i32
    %eq3A_40 = arith.cmpi eq, %arg0, %eq3A_39 : i32
    %eq3A_41 = arith.constant 0 : i32
    %eq3A_42 = arith.cmpi eq, %arg1, %eq3A_41 : i32
    %and3A_43 = arith.andi %eq3A_40, %eq3A_42 : i1
    %convert_element_type3A_44 = arith.extui %and3A_43 : i1 to i32
    %cond3A_45 = arith.constant 0 : i32
    %cond3A_46 = arith.cmpi ne, %convert_element_type3A_44, %cond3A_45 : i32
    scf.if %cond3A_46 {
      %get3A_47 = arith.constant 0 : index
      %get3A_48 = memref.load %arg9[%get3A_47] : memref<1xf32, #tpu.memory_space<smem>>
      %mul3A_49 = arith.constant 1.250000e+00 : f32
      %mul3A_50 = arith.mulf %mul3A_49, %get3A_48 : f32
      %div3A = arith.constant 0x4A800000 : f32
      %div3A_51 = arith.divf %mul3A_50, %div3A : f32
      %reshape3A_52 = vector.broadcast %div3A_51 : f32 to vector<1x1xf32>
      %swap3A_53 = arith.constant 0 : index
      %swap3A_54 = arith.constant 0 : index
      %swap3A_55 = vector.load %arg7[%swap3A_53, %swap3A_54] : memref<1x1xf32, #tpu.memory_space<vmem>>, vector<1x1xf32>
      tpu.vector_store %arg7[%swap3A_53, %swap3A_54], %reshape3A_52 {strides = array<i32>} : memref<1x1xf32, #tpu.memory_space<vmem>>, vector<1x1xf32>,
    } else {
    }
    return
  }
  func.func @transform_0(%arg0: i32, %arg1: i32) -> (i32, i32) {
    %c0_i32 = arith.constant 0 : i32
    return %arg0, %arg1 : i32, i32
  }
  func.func @transform_1(%arg0: i32, %arg1: i32) -> (i32, i32) {
    %c0_i32 = arith.constant 0 : i32
    %c0_i32_0 = arith.constant 0 : i32
    %c0_i32_1 = arith.constant 0 : i32
    return %c0_i32, %c0_i32_0 : i32, i32
  }
  func.func @transform_2(%arg0: i32, %arg1: i32) -> (i32, i32) {
    %c0_i32 = arith.constant 0 : i32
    %c0_i32_0 = arith.constant 0 : i32
    %c0_i32_1 = arith.constant 0 : i32
    return %c0_i32, %c0_i32_0 : i32, i32
  }
  func.func @transform_3(%arg0: i32, %arg1: i32) -> (i32, i32) {
    %c0_i32 = arith.constant 0 : i32
    %c0_i32_0 = arith.constant 0 : i32
    %c0_i32_1 = arith.constant 0 : i32
    return %c0_i32, %c0_i32_0 : i32, i32
  }
  func.func @transform_4(%arg0: i32, %arg1: i32) -> (i32, i32) {
    %c0_i32 = arith.constant 0 : i32
    return %arg0, %arg1 : i32, i32
  }
  func.func @transform_5(%arg0: i32, %arg1: i32) -> (i32, i32) {
    %c0_i32 = arith.constant 0 : i32
    %c0_i32_0 = arith.constant 0 : i32
    %c0_i32_1 = arith.constant 0 : i32
    return %c0_i32, %c0_i32_0 : i32, i32
  }
  func.func @transform_6(%arg0: i32, %arg1: i32) -> (i32, i32, i32) {
    %mul3A = arith.constant 1 : i32
    %mul3A_0 = arith.muli %arg0, %mul3A : i32
    %add3A = arith.addi %mul3A_0, %arg1 : i32
    %c0_i32 = arith.constant 0 : i32
    %c0_i32_1 = arith.constant 0 : i32
    %c0_i32_2 = arith.constant 0 : i32
    return %add3A, %c0_i32, %c0_i32_1 : i32, i32, i32
  }
}

module attributes {stable_mosaic.version = 14 : i64} {
  func.func @_perp_kernel(%arg0: memref<2x1024xf32, #tpu.memory_space<vmem>>, %arg1: memref<1x1xf32, #tpu.memory_space<vmem>>) attributes {dimension_semantics = [], scalar_prefetch = 0 : i64, scratch_operands = 0 : i64, tpu.core_type = #tpu.core_type<tc>} {
    %get3A = arith.constant 0 : index
    %get3A_0 = arith.constant 0 : index
    %get3A_1 = vector.load %arg0[%get3A, %get3A_0] : memref<2x1024xf32, #tpu.memory_space<vmem>>, vector<2x1024xf32>
    %reduce_sum3A = arith.constant dense<0.000000e+00> : vector<1024xf32>
    %reduce_sum3A_2 = vector.multi_reduction <add>, %get3A_1, %reduce_sum3A [0] : vector<2x1024xf32> to vector<1024xf32>
    %broadcast_in_dim3A = vector.shape_cast %reduce_sum3A_2 : vector<1024xf32> to vector<1x1024xf32>
    %div3A = arith.constant 6.553600e+04 : f32
    %div3A_3 = vector.broadcast %div3A : f32 to vector<1x1024xf32>
    %div3A_4 = arith.divf %broadcast_in_dim3A, %div3A_3 : vector<1x1024xf32>
    %add3A = arith.constant 1.000000e-10 : f32
    %add3A_5 = vector.broadcast %add3A : f32 to vector<1x1024xf32>
    %add3A_6 = arith.addf %div3A_4, %add3A_5 : vector<1x1024xf32>
    %log3A = math.log %add3A_6 : vector<1x1024xf32>
    %mul3A = arith.mulf %div3A_4, %log3A : vector<1x1024xf32>
    %reduce_sum3A_7 = vector.shape_cast %mul3A : vector<1x1024xf32> to vector<1x1x1024xf32>
    %reduce_sum3A_8 = arith.constant dense<0.000000e+00> : vector<1xf32>
    %reduce_sum3A_9 = vector.multi_reduction <add>, %reduce_sum3A_7, %reduce_sum3A_8 [1, 2] : vector<1x1x1024xf32> to vector<1xf32>
    %reduce_sum3A_10 = vector.shape_cast %reduce_sum3A_9 : vector<1xf32> to vector<1x1x1xf32>
    %reduce_sum3A_11 = vector.extract %reduce_sum3A_10[0, 0, 0] : f32 from vector<1x1x1xf32>
    %neg3A = arith.constant 0.000000e+00 : f32
    %neg3A_12 = arith.subf %neg3A, %reduce_sum3A_11 : f32
    %exp3A = math.exp %neg3A_12 : f32
    %reshape3A = vector.broadcast %exp3A : f32 to vector<1x1xf32>
    %swap3A = arith.constant 0 : index
    %swap3A_13 = arith.constant 0 : index
    %swap3A_14 = vector.load %arg1[%swap3A, %swap3A_13] : memref<1x1xf32, #tpu.memory_space<vmem>>, vector<1x1xf32>
    tpu.vector_store %arg1[%swap3A, %swap3A_13], %reshape3A {strides = array<i32>} : memref<1x1xf32, #tpu.memory_space<vmem>>, vector<1x1xf32>,
    return
  }
}

</mosaic_0001>

<sc_bundles>
// kernel: kernel.5.cloned.1.call-start
scs
__scs_entry_jumppad:
0x0: {  	(pc) =	sbr.rel $0x88, $3  }
0x1: {  	(tag) =	ssettag $0x0;
	lr =	simm.s32 $0x1  }
0x2: {  	[smem:$0x3F9F] =	sst lr;
	_ =	strace $0xD0000000  }
0x3: {  	_ = 	snop  }
0x4: {  	_ = 	snop  }
0x5: {  	_ = 	snop  }
0x6: {  	_ = 	snop  }
0x7: {  	_ = 	snop  }
__scs_overlays_trampoline_lowered:
0x8: {  	[smem:$0x3FAE] =	sst s0  }
0x9: {  	[smem:$0x3FAF] =	sst s1  }
0xa: {  	[smem:$0x3FB0] =	sst s2  }
0xb: {  	[smem:$0x3FB1] =	sst s3  }
0xc: {  	[smem:$0x3FB2] =	sst s4  }
0xd: {  	[smem:$0x3FB3] =	sst s5  }
0xe: {  	[smem:$0x3FB4] =	sst s6  }
0xf: {  	[smem:$0x3FB5] =	sst s7  }
0x10: {  	[smem:$0x3FB6] =	sst s8  }
0x11: {  	[smem:$0x3FB7] =	sst s9;
	s0 =	simm.s32 @!p0 $0x0  }
0x12: {  	s1 =	sld [smem:$0x3F9D];
	s0 =	simm.s32 @p0 $0x1  }
0x13: {  	[smem:$0x3FB8] =	sst s0;
	s0 =	simm.s32 @!p1 $0x0  }
0x14: {  	s2 =	sld [smem:$0x3F9C];
	s0 =	simm.s32 @p1 $0x1  }
0x15: {  	[smem:$0x3FB9] =	sst s0;
	s0 =	simm.s32 @!p2 $0x0  }
0x16: {  	s3 =	sld [smem:$0x3FDB];
	s0 =	simm.s32 @p2 $0x1  }
0x17: {  	s4 =	simm.s32 $0x1BF5;
	[smem:$0x3FBB] =	sst s0  }
0x18: {  	s0 =	sld [smem:$0x3F9E];
	_ =	swait.ge [sflag:s4], $0x0  }
0x19: {  	s7 =	sld [smem:$0x3F9F]  }
0x1a: {  	s8 =	sadd.s32 $0xFFFFE003, lr  }
0x1b: {  	s9 =	sadd.s32 $0xFFFFFEF7, lr;
	s5 =	simm.s32 $0xFFFFFFFF;
	p2 =	slt.u32 s8, $0xFFFFF086  }
0x1c: {  	p1 =	slt.u32 s9, $0xF7A;
	s5 =	simm.s32 @!p2 $0x0  }
0x1d: {  	s5 =	simm.s32 @p1 $0x1;
	p0 =	seq.s32 s7, s2  }
0x1e: {  	s7 =	smul.u32 @!p0 $0xF7A, s2;
	p2 =	seq.s32 @!p0 s5, $0x0  }
0x1f: {  	s9 =	smul.u32 $0xF7A, s1;
	s8 =	simm.s32 @!p0 $0x1BF5;
	p2 =	por !p2, p0  }
0x20: {  	[sflag:s8] =	ssyncset.s32 @!p0 $0xFFFFF086;
	s6 =	sadd.s32 @!p0 s3, s7;
	s7 =	simm.s32 @!p0 $0x108  }
0x21: {  	s3 =	sadd.s32 s3, s9;
	s6 =	sadd.s32 @!p0 $0x88, s6;
	s7 =	simm.s32 @p2 $0x1082  }
0x22: {  	[simem:s7], [sflag:s8] =	dma.local @!p0 [hbm:s6], $0xF7A  }
0x23: {  	s9 =	sor.u32 $0xD0000000, s2;
	s6 =	simm.s32 $0x108;
	_ =	swait.ge @!p0 [sflag:s8], $0x0  }
0x24: {  	s3 =	sadd.s32 $0x88, s3;
	s6 =	simm.s32 @!p1 $0x1082;
	[sflag:s4] =	ssyncset.s32 $0xFFFFF086  }
0x25: {  	[simem:s6], [sflag:s4] =	dma.local [hbm:s3], $0xF7A  }
0x26: {  	[smem:$0x3F9F] =	sst s1;
	(tag) =	ssettag s2;
	_ =	strace s9  }
0x27: {  	s1 =	sld [smem:$0x3FAF]  }
0x28: {  	s2 =	sld [smem:$0x3FB0]  }
0x29: {  	s4 =	sld [smem:$0x3FB2]  }
0x2a: {  	p0 =	seq.s32 s5, $0x0;
	s5 =	sld [smem:$0x3FB3]  }
0x2b: {  	s6 =	sld [smem:$0x3FB4]  }
0x2c: {  	s7 =	sld [smem:$0x3FB5]  }
0x2d: {  	s3 =	simm.s32 $0x108;
	s8 =	sld [smem:$0x3FB6]  }
0x2e: {  	s3 =	simm.s32 @!p0 $0x1082;
	s9 =	sld [smem:$0x3FB7]  }
0x2f: {  	lr =	sadd.s32 s0, s3;
	s0 =	sld [smem:$0x3FAE]  }
0x30: {  	s3 =	sld [smem:$0x3FB1]  }
0x31: {  	[smem:$0x3FBA] =	sst s10  }
0x32: {  	s10 =	sld [smem:$0x3FB8];
	_ =	sdelay $0x3  }
0x33: {  	p0 =	seq.s32 s10, $0x1;
	s10 =	sld [smem:$0x3FBA];
	_ =	sdelay $0x3  }
0x34: {  	[smem:$0x3FBA] =	sst s10  }
0x35: {  	s10 =	sld [smem:$0x3FB9];
	_ =	sdelay $0x3  }
0x36: {  	p1 =	seq.s32 s10, $0x1;
	s10 =	sld [smem:$0x3FBA];
	_ =	sdelay $0x3  }
0x37: {  	[smem:$0x3FBA] =	sst s10  }
0x38: {  	s10 =	sld [smem:$0x3FBB]  }
0x39: {  	_ = 	snop;
	(pc) =	sbr.ind lr, $3  }
0x3a: {  	_ = 	snop  }
0x3b: {  	_ = 	snop  }
0x3c: {  	p2 =	seq.s32 s10, $0x1;
	s10 =	sld [smem:$0x3FBA]  }
0x3d: {  	_ =	shalt  }
0x3e: {  	_ =	shalt  }
0x3f: {  	_ =	shalt  }
0x40: {  	_ =	shalt  }
0x41: {  	_ =	shalt  }
0x42: {  	_ =	shalt  }
0x43: {  	_ =	shalt  }
0x44: {  	_ =	shalt  }
0x45: {  	_ =	shalt  }
0x46: {  	_ =	shalt  }
0x47: {  	_ =	shalt  }
0x48: {  	_ =	shalt  }
0x49: {  	_ =	shalt  }
0x4a: {  	_ =	shalt  }
0x4b: {  	_ =	shalt  }
0x4c: {  	_ =	shalt  }
0x4d: {  	_ =	shalt  }
0x4e: {  	_ =	shalt  }
0x4f: {  	_ =	shalt  }
0x50: {  	_ =	shalt  }
0x51: {  	_ =	shalt  }
0x52: {  	_ =	shalt  }
0x53: {  	_ =	shalt  }
0x54: {  	_ =	shalt  }
0x55: {  	_ =	shalt  }
0x56: {  	_ =	shalt  }
0x57: {  	_ =	shalt  }
0x58: {  	_ =	shalt  }
0x59: {  	_ =	shalt  }
0x5a: {  	_ =	shalt  }
0x5b: {  	_ =	shalt  }
0x5c: {  	_ =	shalt  }
0x5d: {  	_ =	shalt  }
0x5e: {  	_ =	shalt  }
0x5f: {  	_ =	shalt  }
0x60: {  	_ =	shalt  }
0x61: {  	_ =	shalt  }
0x62: {  	_ =	shalt  }
0x63: {  	_ =	shalt  }
0x64: {  	_ =	shalt  }
0x65: {  	_ =	shalt  }
0x66: {  	_ =	shalt  }
0x67: {  	_ =	shalt  }
0x68: {  	_ =	shalt  }
0x69: {  	_ =	shalt  }
0x6a: {  	_ =	shalt  }
0x6b: {  	_ =	shalt  }
0x6c: {  	_ =	shalt  }
0x6d: {  	_ =	shalt  }
0x6e: {  	_ =	shalt  }
0x6f: {  	_ =	shalt  }
0x70: {  	_ =	shalt  }
0x71: {  	_ =	shalt  }
0x72: {  	_ =	shalt  }
0x73: {  	_ =	shalt  }
0x74: {  	_ =	shalt  }
0x75: {  	_ =	shalt  }
0x76: {  	_ =	shalt  }
0x77: {  	_ =	shalt  }
0x78: {  	_ =	shalt  }
0x79: {  	_ =	shalt  }
0x7a: {  	_ =	shalt  }
0x7b: {  	_ =	shalt  }
0x7c: {  	_ =	shalt  }
0x7d: {  	_ =	shalt  }
0x7e: {  	_ =	shalt  }
0x7f: {  	_ =	shalt  }
0x80: {  	_ =	shalt  }
0x81: {  	_ =	shalt  }
0x82: {  	_ =	shalt  }
0x83: {  	_ =	shalt  }
0x84: {  	_ =	shalt  }
0x85: {  	_ =	shalt  }
0x86: {  	_ =	shalt  }
0x87: {  	_ =	shalt  }
.Lfunc_end0:
.L_simem_size_0:
called_computation_lowered:
.L_overlay_start_0:
0x88: {  	s2 =	sld [smem:$0x3FD9]  }
0x89: {  	s3 =	sld [smem:$0x3FFE];
	_ =	sdelay $0x1  }
0x8a: {  	s1 =	srdreg.scid  }
0x8b: {  	s0 =	sand.u32 $0x1, s1  }
0x8c: {  	s16 =	sshll.u32 s0, $0xA;
	s2 =	sadd.s32 s3, s2  }
0x8d: {  	s2 =	sadd.s32 s2, s16  }
0x8e: {  	[smem:$0x3FC6] =	sst s2  }
0x8f: {  	_ = 	snop  }
0x90: {  	(tm) =	ssettm $0x1  }
0x91: {  	s17 =	sld [smem:$0x3FFB];
	_ =	sdelay $0x3  }
0x92: {  	_ =	strace s17  }
0x93: {  	s2 =	sld [smem:$0x3FFC];
	_ =	sdelay $0x3  }
0x94: {  	_ =	strace s2  }
0x95: {  	s2 =	sld [smem:$0x3FFD];
	_ =	sdelay $0x3  }
0x96: {  	_ =	strace s2  }
0x97: {  	_ =	strace $0x8FFFFFFF  }
0x98: {  	s18 =	sld [smem:$0x3FDB];
	_ =	sdelay $0x1  }
0x99: {  	s19 =	simm.s32 $_scs_section_size  }
0x9a: {  	s4 =	simm.s32 $_size__tile_overlayer_lowered;
	s5 =	simm.s32 $_tile_overlayer_lowered  }
0x9b: {  	s22 =	simm.s32 $0x1BFF;
	s21 =	sshll.u32 s5, $0x1;
	s2 =	sadd.s32 s19, s18  }
0x9c: {  	s6 =	simm.s32 $0x0;
	s20 =	sshll.u32 s4, $0x1;
	s4 =	sadd.s32 s21, s2  }
0x9d: {  	[timem:s6], [sflag:s22] =	dma.local [hbm:s4], s20  }
0x9e: {  	_ =	swait.ge [sflag:s22], s20  }
0x9f: {  	s3 =	ssub.s32 $0x0, s20;
	[sflag:s22] =	ssyncset.done $0x0  }
0xa0: {  	[sflag:s22] =	ssyncadd.s32 s3;
	_ =	sdelay $0x1  }
0xa1: {  	s23 =	simm.s32 $0x1B8B  }
0xa2: {  	_ =	swait.ge [sflag:s23], $0x1  }
0xa3: {  	[sflag:s23] =	ssyncset.done $0x0  }
0xa4: {  	s25 =	simm.s32 $0x1B8E;
	s24 =	sld [smem:$0x3FFE];
	[sflag:s23] =	ssyncadd.s32 $0xFFFFFFFF  }
0xa5: {  	s26 =	simm.s32 $execute0_lowered;
	[smem:$0x3FD2] =	sst s25  }
0xa6: {  	s4 =	sshll.u32 s26, $0x1;
	_ =	strace $0x80000046;
	[dreg:$0x1] =	wrdreg $0xFFFFFFFF  }
0xa7: {  	s28 =	simm.s32 $_size_execute0_lowered;
	s2 =	sadd.s32 s2, s4;
	[dreg:$0x0] =	wrdreg $0x0  }
0xa8: {  	s4 =	sshll.u32 s28, $0x1;
	[dreg:$0x2] =	wrdreg s2  }
0xa9: {  	[dreg:$0x3] =	wrdreg s4  }
0xaa: {  	[dreg:$0x4] =	wrdreg $0xC0  }
0xab: {  	_ =	task [dreg:s6], $0x5FFFF  }
0xac: {  	[dreg:$0x1] =	wrdreg $0xFFFFFFFF  }
0xad: {  	[dreg:$0x0] =	wrdreg $0x60  }
0xae: {  	[dreg:$0x2] =	wrdreg s24  }
0xaf: {  	[dreg:$0x3] =	wrdreg $0x10000  }
0xb0: {  	[dreg:$0x4] =	wrdreg $0x9  }
0xb1: {  	_ =	task.clear_ibuf [dreg:s6], $0x5FFFF;
	_ =	strace $0x90000046  }
0xb2: {  	s29 =	simm.s32 $0x9;
	_ =	strace $0x80000048  }
0xb3: {  	_ =	swait.ge [sflag:s29], $0x1  }
0xb4: {  	[sflag:s29] =	ssyncadd.s32 $0xFFFFFFFF  }
0xb5: {  	_ =	strace $0x90000048  }
0xb6: {  	_ =	sfence  }
0xb7: {  	s30 =	sld [smem:$0x0];
	_ =	sdelay $0x2  }
0xb8: {  	s31 =	sshll.u32 s1, $0xD;
	s1 =	sshrl.u32 s1, $0x2  }
0xb9: {  	s3 =	sand.u32 $0x4000, s31;
	s1 =	sadd.s32 s1, s30  }
0xba: {  	s0 =	sor.u32 s3, s0;
	s1 =	sshll.u32 s1, $0x11  }
0xbb: {  	s0 =	sor.u32 s1, s0  }
0xbc: {  	s0 =	sadd.s32 $0x8F2B, s0  }
0xbd: {  	[sflag:s0] =	ssyncadd.remote.s32 $0x1  }
0xbe: {  	_ =	sfence.sel $0xFFFF  }
0xbf: {  	[dreg:$0x0] =	wrdreg $0xFFFFFFFF;
	(pc) =	sbr.abs _section_cstart, $3  }
0xc0: {  	[dreg:$0x1] =	wrdreg $0xFFFFFFFF  }
0xc1: {  	_ =	task.clear_ibuf [dreg:s6], $0x2FFFF;
	_ =	strace $0x9FFFFFFF  }
0xc2: {  	(tm) =	ssettm $0x7FFFFFFF  }
0xc3: {  	_ =	shalt  }
tec
execute0_lowered:
.L_overlay_start_1:
0x0: {  	(tag) =	ssettag $0x1  }
0x1: {  	s4 =	srdreg.scid  }
0x2: {  	s4 =	sand.u32 $0x1, s4  }
0x3: {  	s8 =	ssub.s32 $0x2, s4  }
0x4: {  	s3 =	rddreg [dreg:$0x0];
	s10 =	sshrl.u32 s8, $0x1  }
0x5: {  	s1 =	rddreg [dreg:$0x1];
	s8 =	ssub.s32 s8, s10  }
0x6: {  	s0 =	rddreg [dreg:$0x2];
	s2 =	simm.s32 $0x0;
	s31 =	smax.u32 s8, $0x1  }
0x7: {  	s9 =	stileid.u32;
	p1 =	por $0x0, $0x0;
	s12 =	sadd.s32 $0xFFFFFFFF, s31  }
0x8: {  	[smem:$0x7FF] =	sst s2;
	s6 =	sadd.s32 $0x2600, s3;
	p2 =	sne.s32 s12, $0x0  }
.Ltmp0:
0x9: {  	s29 =	sshll.u32 s9, $0x9;
	p0 =	sne.s32 s9, $0x0;
	(pc) =	sbr.rel @!p2 .LBB2_3-.Ltmp0, $4  }
0xa: {  	s9 =	simm.s32 $0x800;
	_ =	strace $0x80000047;
	s5 =	sshll.u32 s4, $0x8  }
0xb: {  	s4 =	sshll.u32 s4, $0x4;
	s7 =	sadd.s32 s5, s3;
	s5 =	sadd.s32 $0x2400, s3  }
0xc: {  	s3 =	sadd.s32 s4, s3;
	s4 =	sshrl.u32 @!p0 s1, $0x3;
	s30 =	sadd.s32 s29, s7  }
0xd: {  	s3 =	sadd.s32 $0x2800, s3;
	s7 =	simm.s32 $0x1;
	s8 =	sadd.s32 $0x400, s30  }
0xe: {  	s11 =	simm.s32 @!p0 $0x1C01;
	s10 =	simm.s32 @!p0 $0x1  }
0xf: {  	[spmem:s4], [sflag:s11] =	dma.local @!p0 [hbm:s6], $0x80  }
0x10: {  	_ =	swait.ge @!p0 [sflag:s10], $0x80  }
0x11: {  	[sflag:s10] =	ssyncset.done @!p0 $0x0  }
0x12: {  	[sflag:s10] =	ssyncadd.s32 @!p0 $0xFFFFFF80  }
0x13: {  	[tilespmem:s9], [sflag:$0x1] =	stream.linear.gather [hbm4b:s5+s2], $0x800, $0x38;
	[tilespmem:$0x1040] =	vst v63  }
0x14: {  	_ =	swait.ge [sflag:s7], $0x800  }
0x15: {  	[sflag:s7] =	ssyncset.done $0x0  }
0x16: {  	[sflag:s7] =	ssyncadd.s32 $0xFFFFF800  }
0x17: {  	[tilespmem:s2], [sflag:$0x1] =	stream.linear.gather [hbm4b:s8+s2], $0x800, $0x38;
	[tilespmem:$0x1040] =	vst v63  }
0x18: {  	_ =	swait.ge [sflag:s7], $0x800  }
0x19: {  	[sflag:s7] =	ssyncset.done $0x0  }
0x1a: {  	[sflag:s7] =	ssyncadd.s32 $0xFFFFF800  }
0x1b: {  	[bflag:$0x0] =	sbarrier.arrive $0xFFFF  }
0x1c: {  	[spmem:s1] =	stream.indirect.scatter.add.f32 [tilespmem:s9], [sflag:$0x1], $0x1, s2, s9, $0xb8;
	[tilespmem:$0x1040] =	vst v63  }
0x1d: {  	s12 =	sadd.s32 $0xFFFFFFFF, s12;
	_ =	swait.ge [sflag:s7], $0x800  }
0x1e: {  	p2 =	sne.s32 s12, $0x0;
	[sflag:s7] =	ssyncset.done $0x0  }
.Ltmp1:
0x1f: {  	[sflag:s7] =	ssyncadd.s32 $0xFFFFF800;
	(pc) =	sbr.rel @!p2 .LBB2_3-.Ltmp1, $4  }
0x20: {  	s13 =	simm.s32 @!p0 $0x20;
	s14 =	simm.s32 @!p0 $0x10;
	[bflag:$0x0] =	sbarrier.arrive $0xFFFF  }
0x21: {  	[hbm:s3@s13], [sflag:s11] =	dma.strided @!p0 [spmem:s4@s14], $0x80, s10, $0x10   }
0x22: {  	_ =	swait.ge @!p0 [sflag:s10], $0x80  }
0x23: {  	p1 =	por $0x1, $0x1;
	[sflag:s10] =	ssyncset.done @!p0 $0x0  }
.LBB2_2:
0x24: {  	[sflag:s10] =	ssyncadd.s32 @!p0 $0xFFFFFF80  }
0x25: {  	[spmem:s4], [sflag:s11] =	dma.local @!p0 [hbm:s6], $0x80  }
0x26: {  	s12 =	sadd.s32 $0xFFFFFFFF, s12;
	_ =	swait.ge @!p0 [sflag:s10], $0x80  }
0x27: {  	p2 =	sne.s32 s12, $0x0;
	[sflag:s10] =	ssyncset.done @!p0 $0x0  }
0x28: {  	[sflag:s10] =	ssyncadd.s32 @!p0 $0xFFFFFF80  }
0x29: {  	[tilespmem:s9], [sflag:$0x1] =	stream.linear.gather [hbm4b:s5+s2], $0x800, $0x38;
	[tilespmem:$0x1040] =	vst v63  }
0x2a: {  	_ =	swait.ge [sflag:s7], $0x800  }
0x2b: {  	[sflag:s7] =	ssyncset.done $0x0  }
0x2c: {  	[sflag:s7] =	ssyncadd.s32 $0xFFFFF800  }
0x2d: {  	[tilespmem:s2], [sflag:$0x1] =	stream.linear.gather [hbm4b:s8+s2], $0x800, $0x38;
	[tilespmem:$0x1040] =	vst v63  }
0x2e: {  	_ =	swait.ge [sflag:s7], $0x800  }
0x2f: {  	[sflag:s7] =	ssyncset.done $0x0  }
0x30: {  	[sflag:s7] =	ssyncadd.s32 $0xFFFFF800  }
0x31: {  	[bflag:$0x0] =	sbarrier.arrive $0xFFFF  }
0x32: {  	[spmem:s1] =	stream.indirect.scatter.add.f32 [tilespmem:s9], [sflag:$0x1], $0x1, s2, s9, $0xb8;
	[tilespmem:$0x1040] =	vst v63  }
0x33: {  	_ =	swait.ge [sflag:s7], $0x800  }
0x34: {  	[sflag:s7] =	ssyncset.done $0x0  }
.Ltmp2:
0x35: {  	[sflag:s7] =	ssyncadd.s32 $0xFFFFF800;
	(pc) =	sbr.rel @p2 .LBB2_2-.Ltmp2, $4  }
0x36: {  	[bflag:$0x0] =	sbarrier.arrive $0xFFFF  }
0x37: {  	[hbm:s3@s13], [sflag:s11] =	dma.strided @!p0 [spmem:s4@s14], $0x80, s10, $0x10   }
0x38: {  	_ =	swait.ge @!p0 [sflag:s10], $0x80  }
0x39: {  	[sflag:s10] =	ssyncset.done @!p0 $0x0  }
.LBB2_3:
0x3a: {  	p1 =	por p0, !p1  }
0x3b: {  	s11 =	simm.s32 @!p0 $0x1C01;
	s12 =	simm.s32 @!p0 $0x1;
	[sflag:s10] =	ssyncadd.s32 @!p1 $0xFFFFFF80  }
0x3c: {  	[spmem:s4], [sflag:s11] =	dma.local @!p0 [hbm:s6], $0x80  }
0x3d: {  	_ =	swait.ge @!p0 [sflag:s12], $0x80  }
0x3e: {  	[sflag:s12] =	ssyncset.done @!p0 $0x0  }
0x3f: {  	[sflag:s12] =	ssyncadd.s32 @!p0 $0xFFFFFF80  }
0x40: {  	[tilespmem:s9], [sflag:$0x1] =	stream.linear.gather [hbm4b:s5+s2], $0x800, $0x38;
	[tilespmem:$0x1040] =	vst v63  }
0x41: {  	_ =	swait.ge [sflag:s7], $0x800  }
0x42: {  	[sflag:s7] =	ssyncset.done $0x0  }
0x43: {  	[sflag:s7] =	ssyncadd.s32 $0xFFFFF800  }
0x44: {  	[tilespmem:s2], [sflag:$0x1] =	stream.linear.gather [hbm4b:s8+s2], $0x800, $0x38;
	[tilespmem:$0x1040] =	vst v63  }
0x45: {  	_ =	swait.ge [sflag:s7], $0x800  }
0x46: {  	[sflag:s7] =	ssyncset.done $0x0  }
0x47: {  	[sflag:s7] =	ssyncadd.s32 $0xFFFFF800  }
0x48: {  	[bflag:$0x0] =	sbarrier.arrive $0xFFFF  }
0x49: {  	[spmem:s1] =	stream.indirect.scatter.add.f32 [tilespmem:s9], [sflag:$0x1], $0x1, s2, s9, $0xb8;
	[tilespmem:$0x1040] =	vst v63  }
0x4a: {  	_ =	swait.ge [sflag:s7], $0x800  }
0x4b: {  	[sflag:s7] =	ssyncset.done $0x0  }
0x4c: {  	[sflag:s7] =	ssyncadd.s32 $0xFFFFF800  }
0x4d: {  	s1 =	simm.s32 @!p0 $0x20;
	s2 =	simm.s32 @!p0 $0x10;
	[bflag:$0x0] =	sbarrier.arrive $0xFFFF  }
0x4e: {  	[hbm:s3@s1], [sflag:s11] =	dma.strided @!p0 [spmem:s4@s2], $0x80, s12, $0x10   }
0x4f: {  	_ =	swait.ge @!p0 [sflag:s12], $0x80  }
0x50: {  	[sflag:s12] =	ssyncset.done @!p0 $0x0  }
0x51: {  	[sflag:s12] =	ssyncadd.s32 @!p0 $0xFFFFFF80  }
0x52: {  	_ =	sfence.sel $0x180000  }
0x53: {  	[bflag:$0x0] =	sbarrier.arrive $0xFFFF  }
0x54: {  	_ =	strace $0x90000047  }
0x55: {  	s0 =	sadd.s32 @!p0 $0x100000, s0;
	[bflag:$0x2] =	sbarrier.arrive $0xFFFF  }
0x56: {  	[sflag:s0] =	ssyncadd.tile.s32 @!p0 $0x1;
	_ =	shalt  }
.Lfunc_end2:
_tile_overlayer_lowered:
.L_overlay_start_2:
0x57: {  	(tag) =	ssettag $0x2  }
0x58: {  	s0 =	rddreg [dreg:$0x0];
	s2 =	stileid.u32  }
0x59: {  	s1 =	rddreg [dreg:$0x1];
	p0 =	sne.s32 s2, $0x0  }
0x5a: {  	s3 =	rddreg [dreg:$0x2];
	[bflag:$0x3] =	sbarrier.arrive $0xFFFF;
	s2 =	simm.s32 @!p0 $0x1C01  }
0x5b: {  	[timem:s3], [sflag:s2] =	dma.local @!p0 [hbm:s0], s1  }
0x5c: {  	s0 =	simm.s32 @!p0 $0x1  }
0x5d: {  	_ =	swait.ge @!p0 [sflag:s0], s1  }
0x5e: {  	s1 =	ssub.s32 @!p0 $0x0, s1;
	[sflag:s0] =	ssyncset.done @!p0 $0x0  }
0x5f: {  	[sflag:s0] =	ssyncadd.s32 @!p0 s1  }
0x60: {  	[bflag:$0x3] =	sbarrier.arrive $0xFFFF  }
0x61: {  	_ =	shalt  }

</sc_bundles>
